<compile_context>
chip_gen: v7x
topology: tpu7x:2x2x1
jax: 0.10.2.dev20260603
libtpu: 0.0.44.dev20260713+nightly
codegen_flags: <defaults>
</compile_context>

<pallas_src>
import functools

import jax
import jax.numpy as jnp
from jax import lax
from jax.experimental import pallas as pl
from jax.experimental.pallas import tpu as pltpu
from jax.experimental.pallas import tpu_sc as plsc

B = 1024
D = 64
C = 100
P = 100
K = C * P
ALPHA = 16.0
NPAIR = C // 2
R = 256
INV_B = 1.0 / B
NEG_BIG = -1e30

NTILES = 8
RW = B // NTILES
L = 16


def _mca_tc_kernel(x_ref, c_ref, lpb_ref, cb_ref, yn_ref):
    i = pl.program_id(0)

    @pl.when(i == 0)
    def _():
        c = c_ref[...]
        cb_ref[...] = ((2.0 * ALPHA) * c).astype(jnp.bfloat16)
        yn_ref[...] = (-ALPHA) * jnp.sum(c * c, axis=1, keepdims=True)

    xb = x_ref[...].astype(jnp.bfloat16)
    s2 = jax.lax.dot_general(
        cb_ref[...], xb, (((1,), (1,)), ((), ())),
        preferred_element_type=jnp.float32)
    s = s2 + yn_ref[...]

    s3 = s.reshape(NPAIR, 2 * P, R)
    core0 = s3[:, 0:96, :]
    mid = s3[:, 96:104, :]
    core1 = s3[:, 104:200, :]
    mid_is_a = lax.broadcasted_iota(jnp.int32, (NPAIR, 8, R), 1) < 4

    mxA = jnp.maximum(jnp.max(core0, axis=1),
                      jnp.max(jnp.where(mid_is_a, mid, NEG_BIG), axis=1))
    mxB = jnp.maximum(jnp.max(core1, axis=1),
                      jnp.max(jnp.where(mid_is_a, NEG_BIG, mid), axis=1))

    shift_mid = jnp.where(mid_is_a, mxA[:, None, :], mxB[:, None, :])
    wM = jnp.exp(mid - shift_mid)
    SMA = jnp.sum(jnp.where(mid_is_a, wM, 0.0), axis=1)
    SMT = jnp.sum(wM, axis=1)
    SA = jnp.sum(jnp.exp(core0 - mxA[:, None, :]), axis=1) + SMA
    SB = jnp.sum(jnp.exp(core1 - mxB[:, None, :]), axis=1) + (SMT - SMA)

    mxrow = jnp.max(jnp.maximum(mxA, mxB), axis=0, keepdims=True)
    T = jnp.sum(jnp.exp(mxA - mxrow) * SA
                + jnp.exp(mxB - mxrow) * SB, axis=0)

    la_row = mxrow + jnp.log(T).reshape(1, R)
    top = jnp.concatenate([mxA + jnp.log(SA), la_row], axis=0)
    bot = jnp.concatenate([mxB + jnp.log(SB),
                           jnp.zeros((1, R), jnp.float32)], axis=0)
    lpb_ref[...] = jnp.stack([top, bot], axis=0)


def _mca_sc_kernel(lpb_hbm, t_hbm, out_hbm,
                   tvm, pvm, accvm, shared, sumvm, outvm):
    core = lax.axis_index("c")
    sub = lax.axis_index("s")

    @pl.when(core == 0)
    def _():
        @pl.when(sub < NTILES)
        def _():
            base = sub * RW
            pltpu.sync_copy(t_hbm.at[pl.ds(base, RW)], tvm)
            pltpu.sync_copy(lpb_hbm.at[:, :, pl.ds(base, RW)], pvm)

            acc = jnp.zeros((L,), jnp.float32)
            for j in range(RW // L):
                tv = tvm[pl.ds(j * L, L)]
                parity = jnp.bitwise_and(tv, 1)
                tq = lax.shift_right_logical(tv, 1)
                ridx = lax.iota(jnp.int32, L) + (j * L)
                lpos = plsc.load_gather(pvm, [parity, tq, ridx])
                lall = pvm[0, NPAIR, pl.ds(j * L, L)]
                acc = acc + (lall - lpos)
            accvm[...] = acc

            pltpu.sync_copy(accvm, shared.at[sub])

        plsc.subcore_barrier()

        @pl.when(sub == 0)
        def _():
            pltpu.sync_copy(shared, sumvm)
            tot = jnp.zeros((L,), jnp.float32)
            for w in range(NTILES):
                tot = tot + sumvm[w]
            mean = jnp.sum(tot) * INV_B
            outvm[...] = jnp.full((L,), mean, jnp.float32)
            pltpu.sync_copy(outvm, out_hbm)


_sc_call = functools.partial(
    pl.kernel,
    mesh=plsc.VectorSubcoreMesh(core_axis_name="c", subcore_axis_name="s"),
    compiler_params=pltpu.CompilerParams(use_tc_tiling_on_sc=False,
                                         needs_layout_passes=False),
    out_type=jax.ShapeDtypeStruct((L,), jnp.float32),
    scratch_types=[
        pltpu.VMEM((RW,), jnp.int32),
        pltpu.VMEM((2, NPAIR + 1, RW), jnp.float32),
        pltpu.VMEM((L,), jnp.float32),
        pltpu.VMEM_SHARED((NTILES, L), jnp.float32),
        pltpu.VMEM((NTILES, L), jnp.float32),
        pltpu.VMEM((L,), jnp.float32),
    ],
)(_mca_sc_kernel)


@jax.jit
def kernel(inputs, targets, _mask, centers, center_labels, cluster_counter):
    del _mask, center_labels, cluster_counter

    lpb = pl.pallas_call(
        _mca_tc_kernel,
        grid=(B // R,),
        in_specs=[
            pl.BlockSpec((R, D), lambda i: (i, 0)),
            pl.BlockSpec((K, D), lambda i: (0, 0)),
        ],
        out_specs=pl.BlockSpec((2, NPAIR + 1, R), lambda i: (0, 0, i)),
        out_shape=jax.ShapeDtypeStruct((2, NPAIR + 1, B), jnp.float32),
        scratch_shapes=[
            pltpu.VMEM((K, D), jnp.bfloat16),
            pltpu.VMEM((K, 1), jnp.float32),
        ],
    )(inputs, centers)

    out = _sc_call(lpb, targets)
    return out[0]

# --- scband reference (transcript-rebuilt; emitter-appended) ---
"""Pipeline reference for scband-mcaloss-20572893348480 (READ-ONLY COPY).

The authoritative reference and input builder live on the scoring server;
editing this copy changes nothing except your own understanding.
"""

import jax, jax.numpy as jnp
import numpy as np

B = 1024
D = 64
C = 100      # num classes
P = 100      # clusters per class
K = C * P    # total centers
ALPHA = 16.0
NEG_K = 32


def pair_euclidean_dist(x, y):
    xx = jnp.sum(jnp.power(x, 2), axis=1, keepdims=True)      # [n,1]
    yy = jnp.sum(jnp.power(y, 2), axis=1, keepdims=True).T    # [1,m]
    return xx + yy - 2.0 * (x @ y.T)


def setup_inputs(seed: int = 0) -> dict:
    key = jax.random.key(seed)
    k1, k2, k3 = jax.random.split(key, 3)
    inputs = jax.random.normal(k1, (B, D), dtype=jnp.float32)
    targets = jax.random.randint(k2, (B,), 0, C)
    centers = jax.random.normal(k3, (K, D), dtype=jnp.float32)
    # sorted labels: each class owns a contiguous block of P clusters
    center_labels = jnp.repeat(jnp.arange(C, dtype=jnp.int32), P)
    _mask = jnp.ones((C, P), dtype=bool)
    cluster_counter = jnp.zeros((C, P), dtype=jnp.float32)
    return {
        'inputs': inputs,
        'targets': targets,
        '_mask': _mask,
        'centers': centers,
        'center_labels': center_labels,
        'cluster_counter': cluster_counter,
    }


def reference(inputs, targets, _mask, centers, center_labels, cluster_counter):
    # centers_dist = pair_euclidean_dist(inputs, self.centers)
    dist = pair_euclidean_dist(inputs, centers)           # [B, K]

    # negative pairs: centers whose label != target
    neg_mask = center_labels[None, :] != targets[:, None]  # [B, K]
    neg_d = jnp.where(neg_mask, dist, jnp.inf)
    # torch.sort(neg)[: 32]  -> 32 smallest negative distances
    neg_pair = -jax.lax.top_k(-neg_d, NEG_K)[0]            # [B, 32]

    # base = (max(neg_pair) + min(dist)).data / 2   (detached)
    base = (jnp.max(neg_pair, axis=1) + jnp.min(dist, axis=1)) / 2.0
    base = jax.lax.stop_gradient(base)                     # [B]

    # positive pairs: the P centers belonging to the target class (block layout),
    # further masked by _mask[target]
    idx = targets[:, None] * P + jnp.arange(P, dtype=targets.dtype)[None, :]  # [B, P]
    pos_d = jnp.take_along_axis(dist, idx, axis=1)         # [B, P]
    msel = _mask[targets].astype(jnp.float32)              # [B, P]

    pos_exp = jnp.sum(jnp.exp(-ALPHA * (pos_d - base[:, None])) * msel, axis=1)
    neg_exp = jnp.sum(jnp.exp(-ALPHA * (neg_pair - base[:, None])), axis=1)

    loss = -jnp.log(pos_exp / (pos_exp + neg_exp))         # [B]
    return jnp.mean(loss)

if __name__ == "__main__":
    import jax
    _d = setup_inputs()
    print(jax.jit(kernel)(*tuple(_d.values())))

</pallas_src>

<mosaic_0001>
#map = affine_map<(d0, d1) -> (0, 0, 0)>
#map1 = affine_map<(d0, d1) -> (0)>
module attributes {stable_mosaic.version = 14 : i64} {
  func.func @_mca_sc_kernel(%arg0: i32, %arg1: i32, %arg2: memref<2x51x1024xf32, #tpu.memory_space<hbm>>, %arg3: memref<1024xi32, #tpu.memory_space<hbm>>, %arg4: memref<16xf32, #tpu.memory_space<hbm>>, %arg5: memref<128xi32, #tpu.memory_space<vmem>>, %arg6: memref<2x51x128xf32, #tpu.memory_space<vmem>>, %arg7: memref<16xf32, #tpu.memory_space<vmem>>, %arg8: memref<8x16xf32, #tpu.memory_space<vmem_shared>>, %arg9: memref<8x16xf32, #tpu.memory_space<vmem>>, %arg10: memref<16xf32, #tpu.memory_space<vmem>>) attributes {dimension_semantics = [#tpu.dimension_semantics<core_parallel>, #tpu.dimension_semantics<subcore_parallel>], iteration_bounds = array<i64: 2, 16>, scalar_prefetch = 0 : i64, scratch_operands = 6 : i64, tpu.core_type = #tpu.core_type<sc_vector_subcore>, window_params = [{transform_indices = #map}, {transform_indices = #map1}, {transform_indices = #map1}]} {
    %eq3A = arith.constant 0 : i32
    %eq3A_0 = arith.cmpi eq, %arg0, %eq3A : i32
    %convert_element_type3A = arith.extui %eq3A_0 : i1 to i32
    %cond3A = arith.constant 0 : i32
    %cond3A_1 = arith.cmpi ne, %convert_element_type3A, %cond3A : i32
    scf.if %cond3A_1 {
      %lt3A = arith.constant 8 : i32
      %lt3A_2 = arith.cmpi slt, %arg1, %lt3A : i32
      %convert_element_type3A_3 = arith.extui %lt3A_2 : i1 to i32
      %cond3A_4 = arith.constant 0 : i32
      %cond3A_5 = arith.cmpi ne, %convert_element_type3A_3, %cond3A_4 : i32
      scf.if %cond3A_5 {
        %mul3A = arith.constant 128 : i32
        %mul3A_11 = arith.muli %arg1, %mul3A : i32
        "tpu.region"() ({
          %run_scoped3A = tpu.sem_alloc : memref<!tpu.dma_semaphore, #tpu.memory_space<semaphore_mem>>
          %dma_start3A = tpu.memref_slice %arg3[%mul3A_11] : memref<1024xi32, #tpu.memory_space<hbm>> -> memref<128xi32, #tpu.memory_space<hbm>>
          %dma_start3A_175 = tpu.memref_slice %arg3[%mul3A_11] : memref<1024xi32, #tpu.memory_space<hbm>> -> memref<128xi32, #tpu.memory_space<hbm>>
          tpu.enqueue_dma source(%dma_start3A_175 : memref<128xi32, #tpu.memory_space<hbm>>) target(%arg5 : memref<128xi32, #tpu.memory_space<vmem>>) target_semaphore(%run_scoped3A : memref<!tpu.dma_semaphore, #tpu.memory_space<semaphore_mem>>)
          %dma_wait3A = tpu.memref_slice %arg3[%mul3A_11] : memref<1024xi32, #tpu.memory_space<hbm>> -> memref<128xi32, #tpu.memory_space<hbm>>
          %dma_wait3A_176 = tpu.memref_slice %arg3[%mul3A_11] : memref<1024xi32, #tpu.memory_space<hbm>> -> memref<128xi32, #tpu.memory_space<hbm>>
          tpu.wait_dma2 semaphore(%run_scoped3A : memref<!tpu.dma_semaphore, #tpu.memory_space<semaphore_mem>>) src(%dma_wait3A_176 : memref<128xi32, #tpu.memory_space<hbm>>) dst(%arg5 : memref<128xi32, #tpu.memory_space<vmem>>)
          tpu.yield
        }) : () -> ()
        "tpu.region"() ({
          %run_scoped3A = tpu.sem_alloc : memref<!tpu.dma_semaphore, #tpu.memory_space<semaphore_mem>>
          %dma_start3A = arith.constant 0 : i32
          %dma_start3A_175 = arith.constant 0 : i32
          %dma_start3A_176 = tpu.memref_slice %arg2[%dma_start3A, %dma_start3A_175, %mul3A_11] : memref<2x51x1024xf32, #tpu.memory_space<hbm>> -> memref<2x51x128xf32, #tpu.memory_space<hbm>>
          %dma_start3A_177 = arith.constant 0 : i32
          %dma_start3A_178 = arith.constant 0 : i32
          %dma_start3A_179 = tpu.memref_slice %arg2[%dma_start3A_177, %dma_start3A_178, %mul3A_11] : memref<2x51x1024xf32, #tpu.memory_space<hbm>> -> memref<2x51x128xf32, #tpu.memory_space<hbm>>
          tpu.enqueue_dma source(%dma_start3A_179 : memref<2x51x128xf32, #tpu.memory_space<hbm>>) target(%arg6 : memref<2x51x128xf32, #tpu.memory_space<vmem>>) target_semaphore(%run_scoped3A : memref<!tpu.dma_semaphore, #tpu.memory_space<semaphore_mem>>)
          %dma_wait3A = arith.constant 0 : i32
          %dma_wait3A_180 = arith.constant 0 : i32
          %dma_wait3A_181 = tpu.memref_slice %arg2[%dma_wait3A, %dma_wait3A_180, %mul3A_11] : memref<2x51x1024xf32, #tpu.memory_space<hbm>> -> memref<2x51x128xf32, #tpu.memory_space<hbm>>
          %dma_wait3A_182 = arith.constant 0 : i32
          %dma_wait3A_183 = arith.constant 0 : i32
          %dma_wait3A_184 = tpu.memref_slice %arg2[%dma_wait3A_182, %dma_wait3A_183, %mul3A_11] : memref<2x51x1024xf32, #tpu.memory_space<hbm>> -> memref<2x51x128xf32, #tpu.memory_space<hbm>>
          tpu.wait_dma2 semaphore(%run_scoped3A : memref<!tpu.dma_semaphore, #tpu.memory_space<semaphore_mem>>) src(%dma_wait3A_184 : memref<2x51x128xf32, #tpu.memory_space<hbm>>) dst(%arg6 : memref<2x51x128xf32, #tpu.memory_space<vmem>>)
          tpu.yield
        }) : () -> ()
        %broadcast_in_dim3A = arith.constant 0.000000e+00 : f32
        %broadcast_in_dim3A_12 = vector.broadcast %broadcast_in_dim3A : f32 to vector<16xf32>
        %get3A = arith.constant 0 : index
        %get3A_13 = tpu.vector_load %arg5[%get3A] {strides = array<i32>} : memref<128xi32, #tpu.memory_space<vmem>>, vector<16xi32>,
        %and3A = arith.constant 1 : i32
        %and3A_14 = vector.broadcast %and3A : i32 to vector<16xi32>
        %and3A_15 = arith.andi %get3A_13, %and3A_14 : vector<16xi32>
        %shift_right_logical3A = arith.constant 1 : i32
        %shift_right_logical3A_16 = vector.broadcast %shift_right_logical3A : i32 to vector<16xi32>
        %shift_right_logical3A_17 = arith.shrui %get3A_13, %shift_right_logical3A_16 : vector<16xi32>
        %iota3A = tpu.iota {dimensions = array<i32: 0>} : vector<16xi32>
        %add3A = arith.constant 0 : i32
        %add3A_18 = vector.broadcast %add3A : i32 to vector<16xi32>
        %add3A_19 = arith.addi %iota3A, %add3A_18 : vector<16xi32>
        %gather3A = tpu.vector_load_idx %arg6[%and3A_15, %shift_right_logical3A_17, %add3A_19] : memref<2x51x128xf32, #tpu.memory_space<vmem>>[vector<16xi32>, vector<16xi32>, vector<16xi32>], vector<16xf32>,
        %get3A_20 = arith.constant 0 : i32
        %get3A_21 = arith.constant 50 : i32
        %get3A_22 = arith.index_cast %get3A_20 : i32 to index
        %get3A_23 = arith.index_cast %get3A_21 : i32 to index
        %get3A_24 = arith.constant 0 : index
        %get3A_25 = tpu.vector_load %arg6[%get3A_22, %get3A_23, %get3A_24] {strides = array<i32>} : memref<2x51x128xf32, #tpu.memory_space<vmem>>, vector<16xf32>,
        %sub3A = arith.subf %get3A_25, %gather3A : vector<16xf32>
        %add3A_26 = arith.addf %broadcast_in_dim3A_12, %sub3A : vector<16xf32>
        %get3A_27 = arith.constant 16 : index
        %get3A_28 = tpu.vector_load %arg5[%get3A_27] {strides = array<i32>} : memref<128xi32, #tpu.memory_space<vmem>>, vector<16xi32>,
        %and3A_29 = arith.constant 1 : i32
        %and3A_30 = vector.broadcast %and3A_29 : i32 to vector<16xi32>
        %and3A_31 = arith.andi %get3A_28, %and3A_30 : vector<16xi32>
        %shift_right_logical3A_32 = arith.constant 1 : i32
        %shift_right_logical3A_33 = vector.broadcast %shift_right_logical3A_32 : i32 to vector<16xi32>
        %shift_right_logical3A_34 = arith.shrui %get3A_28, %shift_right_logical3A_33 : vector<16xi32>
        %iota3A_35 = tpu.iota {dimensions = array<i32: 0>} : vector<16xi32>
        %add3A_36 = arith.constant 16 : i32
        %add3A_37 = vector.broadcast %add3A_36 : i32 to vector<16xi32>
        %add3A_38 = arith.addi %iota3A_35, %add3A_37 : vector<16xi32>
        %gather3A_39 = tpu.vector_load_idx %arg6[%and3A_31, %shift_right_logical3A_34, %add3A_38] : memref<2x51x128xf32, #tpu.memory_space<vmem>>[vector<16xi32>, vector<16xi32>, vector<16xi32>], vector<16xf32>,
        %get3A_40 = arith.constant 0 : i32
        %get3A_41 = arith.constant 50 : i32
        %get3A_42 = arith.index_cast %get3A_40 : i32 to index
        %get3A_43 = arith.index_cast %get3A_41 : i32 to index
        %get3A_44 = arith.constant 16 : index
        %get3A_45 = tpu.vector_load %arg6[%get3A_42, %get3A_43, %get3A_44] {strides = array<i32>} : memref<2x51x128xf32, #tpu.memory_space<vmem>>, vector<16xf32>,
        %sub3A_46 = arith.subf %get3A_45, %gather3A_39 : vector<16xf32>
        %add3A_47 = arith.addf %add3A_26, %sub3A_46 : vector<16xf32>
        %get3A_48 = arith.constant 32 : index
        %get3A_49 = tpu.vector_load %arg5[%get3A_48] {strides = array<i32>} : memref<128xi32, #tpu.memory_space<vmem>>, vector<16xi32>,
        %and3A_50 = arith.constant 1 : i32
        %and3A_51 = vector.broadcast %and3A_50 : i32 to vector<16xi32>
        %and3A_52 = arith.andi %get3A_49, %and3A_51 : vector<16xi32>
        %shift_right_logical3A_53 = arith.constant 1 : i32
        %shift_right_logical3A_54 = vector.broadcast %shift_right_logical3A_53 : i32 to vector<16xi32>
        %shift_right_logical3A_55 = arith.shrui %get3A_49, %shift_right_logical3A_54 : vector<16xi32>
        %iota3A_56 = tpu.iota {dimensions = array<i32: 0>} : vector<16xi32>
        %add3A_57 = arith.constant 32 : i32
        %add3A_58 = vector.broadcast %add3A_57 : i32 to vector<16xi32>
        %add3A_59 = arith.addi %iota3A_56, %add3A_58 : vector<16xi32>
        %gather3A_60 = tpu.vector_load_idx %arg6[%and3A_52, %shift_right_logical3A_55, %add3A_59] : memref<2x51x128xf32, #tpu.memory_space<vmem>>[vector<16xi32>, vector<16xi32>, vector<16xi32>], vector<16xf32>,
        %get3A_61 = arith.constant 0 : i32
        %get3A_62 = arith.constant 50 : i32
        %get3A_63 = arith.index_cast %get3A_61 : i32 to index
        %get3A_64 = arith.index_cast %get3A_62 : i32 to index
        %get3A_65 = arith.constant 32 : index
        %get3A_66 = tpu.vector_load %arg6[%get3A_63, %get3A_64, %get3A_65] {strides = array<i32>} : memref<2x51x128xf32, #tpu.memory_space<vmem>>, vector<16xf32>,
        %sub3A_67 = arith.subf %get3A_66, %gather3A_60 : vector<16xf32>
        %add3A_68 = arith.addf %add3A_47, %sub3A_67 : vector<16xf32>
        %get3A_69 = arith.constant 48 : index
        %get3A_70 = tpu.vector_load %arg5[%get3A_69] {strides = array<i32>} : memref<128xi32, #tpu.memory_space<vmem>>, vector<16xi32>,
        %and3A_71 = arith.constant 1 : i32
        %and3A_72 = vector.broadcast %and3A_71 : i32 to vector<16xi32>
        %and3A_73 = arith.andi %get3A_70, %and3A_72 : vector<16xi32>
        %shift_right_logical3A_74 = arith.constant 1 : i32
        %shift_right_logical3A_75 = vector.broadcast %shift_right_logical3A_74 : i32 to vector<16xi32>
        %shift_right_logical3A_76 = arith.shrui %get3A_70, %shift_right_logical3A_75 : vector<16xi32>
        %iota3A_77 = tpu.iota {dimensions = array<i32: 0>} : vector<16xi32>
        %add3A_78 = arith.constant 48 : i32
        %add3A_79 = vector.broadcast %add3A_78 : i32 to vector<16xi32>
        %add3A_80 = arith.addi %iota3A_77, %add3A_79 : vector<16xi32>
        %gather3A_81 = tpu.vector_load_idx %arg6[%and3A_73, %shift_right_logical3A_76, %add3A_80] : memref<2x51x128xf32, #tpu.memory_space<vmem>>[vector<16xi32>, vector<16xi32>, vector<16xi32>], vector<16xf32>,
        %get3A_82 = arith.constant 0 : i32
        %get3A_83 = arith.constant 50 : i32
        %get3A_84 = arith.index_cast %get3A_82 : i32 to index
        %get3A_85 = arith.index_cast %get3A_83 : i32 to index
        %get3A_86 = arith.constant 48 : index
        %get3A_87 = tpu.vector_load %arg6[%get3A_84, %get3A_85, %get3A_86] {strides = array<i32>} : memref<2x51x128xf32, #tpu.memory_space<vmem>>, vector<16xf32>,
        %sub3A_88 = arith.subf %get3A_87, %gather3A_81 : vector<16xf32>
        %add3A_89 = arith.addf %add3A_68, %sub3A_88 : vector<16xf32>
        %get3A_90 = arith.constant 64 : index
        %get3A_91 = tpu.vector_load %arg5[%get3A_90] {strides = array<i32>} : memref<128xi32, #tpu.memory_space<vmem>>, vector<16xi32>,
        %and3A_92 = arith.constant 1 : i32
        %and3A_93 = vector.broadcast %and3A_92 : i32 to vector<16xi32>
        %and3A_94 = arith.andi %get3A_91, %and3A_93 : vector<16xi32>
        %shift_right_logical3A_95 = arith.constant 1 : i32
        %shift_right_logical3A_96 = vector.broadcast %shift_right_logical3A_95 : i32 to vector<16xi32>
        %shift_right_logical3A_97 = arith.shrui %get3A_91, %shift_right_logical3A_96 : vector<16xi32>
        %iota3A_98 = tpu.iota {dimensions = array<i32: 0>} : vector<16xi32>
        %add3A_99 = arith.constant 64 : i32
        %add3A_100 = vector.broadcast %add3A_99 : i32 to vector<16xi32>
        %add3A_101 = arith.addi %iota3A_98, %add3A_100 : vector<16xi32>
        %gather3A_102 = tpu.vector_load_idx %arg6[%and3A_94, %shift_right_logical3A_97, %add3A_101] : memref<2x51x128xf32, #tpu.memory_space<vmem>>[vector<16xi32>, vector<16xi32>, vector<16xi32>], vector<16xf32>,
        %get3A_103 = arith.constant 0 : i32
        %get3A_104 = arith.constant 50 : i32
        %get3A_105 = arith.index_cast %get3A_103 : i32 to index
        %get3A_106 = arith.index_cast %get3A_104 : i32 to index
        %get3A_107 = arith.constant 64 : index
        %get3A_108 = tpu.vector_load %arg6[%get3A_105, %get3A_106, %get3A_107] {strides = array<i32>} : memref<2x51x128xf32, #tpu.memory_space<vmem>>, vector<16xf32>,
        %sub3A_109 = arith.subf %get3A_108, %gather3A_102 : vector<16xf32>
        %add3A_110 = arith.addf %add3A_89, %sub3A_109 : vector<16xf32>
        %get3A_111 = arith.constant 80 : index
        %get3A_112 = tpu.vector_load %arg5[%get3A_111] {strides = array<i32>} : memref<128xi32, #tpu.memory_space<vmem>>, vector<16xi32>,
        %and3A_113 = arith.constant 1 : i32
        %and3A_114 = vector.broadcast %and3A_113 : i32 to vector<16xi32>
        %and3A_115 = arith.andi %get3A_112, %and3A_114 : vector<16xi32>
        %shift_right_logical3A_116 = arith.constant 1 : i32
        %shift_right_logical3A_117 = vector.broadcast %shift_right_logical3A_116 : i32 to vector<16xi32>
        %shift_right_logical3A_118 = arith.shrui %get3A_112, %shift_right_logical3A_117 : vector<16xi32>
        %iota3A_119 = tpu.iota {dimensions = array<i32: 0>} : vector<16xi32>
        %add3A_120 = arith.constant 80 : i32
        %add3A_121 = vector.broadcast %add3A_120 : i32 to vector<16xi32>
        %add3A_122 = arith.addi %iota3A_119, %add3A_121 : vector<16xi32>
        %gather3A_123 = tpu.vector_load_idx %arg6[%and3A_115, %shift_right_logical3A_118, %add3A_122] : memref<2x51x128xf32, #tpu.memory_space<vmem>>[vector<16xi32>, vector<16xi32>, vector<16xi32>], vector<16xf32>,
        %get3A_124 = arith.constant 0 : i32
        %get3A_125 = arith.constant 50 : i32
        %get3A_126 = arith.index_cast %get3A_124 : i32 to index
        %get3A_127 = arith.index_cast %get3A_125 : i32 to index
        %get3A_128 = arith.constant 80 : index
        %get3A_129 = tpu.vector_load %arg6[%get3A_126, %get3A_127, %get3A_128] {strides = array<i32>} : memref<2x51x128xf32, #tpu.memory_space<vmem>>, vector<16xf32>,
        %sub3A_130 = arith.subf %get3A_129, %gather3A_123 : vector<16xf32>
        %add3A_131 = arith.addf %add3A_110, %sub3A_130 : vector<16xf32>
        %get3A_132 = arith.constant 96 : index
        %get3A_133 = tpu.vector_load %arg5[%get3A_132] {strides = array<i32>} : memref<128xi32, #tpu.memory_space<vmem>>, vector<16xi32>,
        %and3A_134 = arith.constant 1 : i32
        %and3A_135 = vector.broadcast %and3A_134 : i32 to vector<16xi32>
        %and3A_136 = arith.andi %get3A_133, %and3A_135 : vector<16xi32>
        %shift_right_logical3A_137 = arith.constant 1 : i32
        %shift_right_logical3A_138 = vector.broadcast %shift_right_logical3A_137 : i32 to vector<16xi32>
        %shift_right_logical3A_139 = arith.shrui %get3A_133, %shift_right_logical3A_138 : vector<16xi32>
        %iota3A_140 = tpu.iota {dimensions = array<i32: 0>} : vector<16xi32>
        %add3A_141 = arith.constant 96 : i32
        %add3A_142 = vector.broadcast %add3A_141 : i32 to vector<16xi32>
        %add3A_143 = arith.addi %iota3A_140, %add3A_142 : vector<16xi32>
        %gather3A_144 = tpu.vector_load_idx %arg6[%and3A_136, %shift_right_logical3A_139, %add3A_143] : memref<2x51x128xf32, #tpu.memory_space<vmem>>[vector<16xi32>, vector<16xi32>, vector<16xi32>], vector<16xf32>,
        %get3A_145 = arith.constant 0 : i32
        %get3A_146 = arith.constant 50 : i32
        %get3A_147 = arith.index_cast %get3A_145 : i32 to index
        %get3A_148 = arith.index_cast %get3A_146 : i32 to index
        %get3A_149 = arith.constant 96 : index
        %get3A_150 = tpu.vector_load %arg6[%get3A_147, %get3A_148, %get3A_149] {strides = array<i32>} : memref<2x51x128xf32, #tpu.memory_space<vmem>>, vector<16xf32>,
        %sub3A_151 = arith.subf %get3A_150, %gather3A_144 : vector<16xf32>
        %add3A_152 = arith.addf %add3A_131, %sub3A_151 : vector<16xf32>
        %get3A_153 = arith.constant 112 : index
        %get3A_154 = tpu.vector_load %arg5[%get3A_153] {strides = array<i32>} : memref<128xi32, #tpu.memory_space<vmem>>, vector<16xi32>,
        %and3A_155 = arith.constant 1 : i32
        %and3A_156 = vector.broadcast %and3A_155 : i32 to vector<16xi32>
        %and3A_157 = arith.andi %get3A_154, %and3A_156 : vector<16xi32>
        %shift_right_logical3A_158 = arith.constant 1 : i32
        %shift_right_logical3A_159 = vector.broadcast %shift_right_logical3A_158 : i32 to vector<16xi32>
        %shift_right_logical3A_160 = arith.shrui %get3A_154, %shift_right_logical3A_159 : vector<16xi32>
        %iota3A_161 = tpu.iota {dimensions = array<i32: 0>} : vector<16xi32>
        %add3A_162 = arith.constant 112 : i32
        %add3A_163 = vector.broadcast %add3A_162 : i32 to vector<16xi32>
        %add3A_164 = arith.addi %iota3A_161, %add3A_163 : vector<16xi32>
        %gather3A_165 = tpu.vector_load_idx %arg6[%and3A_157, %shift_right_logical3A_160, %add3A_164] : memref<2x51x128xf32, #tpu.memory_space<vmem>>[vector<16xi32>, vector<16xi32>, vector<16xi32>], vector<16xf32>,
        %get3A_166 = arith.constant 0 : i32
        %get3A_167 = arith.constant 50 : i32
        %get3A_168 = arith.index_cast %get3A_166 : i32 to index
        %get3A_169 = arith.index_cast %get3A_167 : i32 to index
        %get3A_170 = arith.constant 112 : index
        %get3A_171 = tpu.vector_load %arg6[%get3A_168, %get3A_169, %get3A_170] {strides = array<i32>} : memref<2x51x128xf32, #tpu.memory_space<vmem>>, vector<16xf32>,
        %sub3A_172 = arith.subf %get3A_171, %gather3A_165 : vector<16xf32>
        %add3A_173 = arith.addf %add3A_152, %sub3A_172 : vector<16xf32>
        %swap3A = arith.constant 0 : index
        %swap3A_174 = tpu.vector_load %arg7[%swap3A] {strides = array<i32>} : memref<16xf32, #tpu.memory_space<vmem>>, vector<16xf32>,
        tpu.vector_store %arg7[%swap3A], %add3A_173 {strides = array<i32>} : memref<16xf32, #tpu.memory_space<vmem>>, vector<16xf32>,
        "tpu.region"() ({
          %run_scoped3A = tpu.sem_alloc : memref<!tpu.dma_semaphore, #tpu.memory_space<semaphore_mem>>
          %dma_start3A = arith.constant 0 : i32
          %dma_start3A_175 = tpu.memref_slice %arg8[%arg1, %dma_start3A] : memref<8x16xf32, #tpu.memory_space<vmem_shared>> -> memref<1x16xf32, #tpu.memory_space<vmem_shared>>
          %dma_start3A_176 = tpu.memref_squeeze %dma_start3A_175 : memref<1x16xf32, #tpu.memory_space<vmem_shared>> -> memref<16xf32, #tpu.memory_space<vmem_shared>>
          %dma_start3A_177 = arith.constant 0 : i32
          %dma_start3A_178 = tpu.memref_slice %arg8[%arg1, %dma_start3A_177] : memref<8x16xf32, #tpu.memory_space<vmem_shared>> -> memref<1x16xf32, #tpu.memory_space<vmem_shared>>
          %dma_start3A_179 = tpu.memref_squeeze %dma_start3A_178 : memref<1x16xf32, #tpu.memory_space<vmem_shared>> -> memref<16xf32, #tpu.memory_space<vmem_shared>>
          tpu.enqueue_dma source(%arg7 : memref<16xf32, #tpu.memory_space<vmem>>) target(%dma_start3A_179 : memref<16xf32, #tpu.memory_space<vmem_shared>>) target_semaphore(%run_scoped3A : memref<!tpu.dma_semaphore, #tpu.memory_space<semaphore_mem>>)
          %dma_wait3A = arith.constant 0 : i32
          %dma_wait3A_180 = tpu.memref_slice %arg8[%arg1, %dma_wait3A] : memref<8x16xf32, #tpu.memory_space<vmem_shared>> -> memref<1x16xf32, #tpu.memory_space<vmem_shared>>
          %dma_wait3A_181 = tpu.memref_squeeze %dma_wait3A_180 : memref<1x16xf32, #tpu.memory_space<vmem_shared>> -> memref<16xf32, #tpu.memory_space<vmem_shared>>
          %dma_wait3A_182 = arith.constant 0 : i32
          %dma_wait3A_183 = tpu.memref_slice %arg8[%arg1, %dma_wait3A_182] : memref<8x16xf32, #tpu.memory_space<vmem_shared>> -> memref<1x16xf32, #tpu.memory_space<vmem_shared>>
          %dma_wait3A_184 = tpu.memref_squeeze %dma_wait3A_183 : memref<1x16xf32, #tpu.memory_space<vmem_shared>> -> memref<16xf32, #tpu.memory_space<vmem_shared>>
          tpu.wait_dma2 semaphore(%run_scoped3A : memref<!tpu.dma_semaphore, #tpu.memory_space<semaphore_mem>>) src(%arg7 : memref<16xf32, #tpu.memory_space<vmem>>) dst(%dma_wait3A_184 : memref<16xf32, #tpu.memory_space<vmem_shared>>)
          tpu.yield
        }) : () -> ()
      } else {
      }
      %barrier3A = arith.constant 0 : index
      tpu.barrier barrier_id(%barrier3A)
      %eq3A_6 = arith.constant 0 : i32
      %eq3A_7 = arith.cmpi eq, %arg1, %eq3A_6 : i32
      %convert_element_type3A_8 = arith.extui %eq3A_7 : i1 to i32
      %cond3A_9 = arith.constant 0 : i32
      %cond3A_10 = arith.cmpi ne, %convert_element_type3A_8, %cond3A_9 : i32
      scf.if %cond3A_10 {
        "tpu.region"() ({
          %run_scoped3A = tpu.sem_alloc : memref<!tpu.dma_semaphore, #tpu.memory_space<semaphore_mem>>
          tpu.enqueue_dma source(%arg8 : memref<8x16xf32, #tpu.memory_space<vmem_shared>>) target(%arg9 : memref<8x16xf32, #tpu.memory_space<vmem>>) target_semaphore(%run_scoped3A : memref<!tpu.dma_semaphore, #tpu.memory_space<semaphore_mem>>)
          tpu.wait_dma2 semaphore(%run_scoped3A : memref<!tpu.dma_semaphore, #tpu.memory_space<semaphore_mem>>) src(%arg8 : memref<8x16xf32, #tpu.memory_space<vmem_shared>>) dst(%arg9 : memref<8x16xf32, #tpu.memory_space<vmem>>)
          tpu.yield
        }) : () -> ()
        %broadcast_in_dim3A = arith.constant 0.000000e+00 : f32
        %broadcast_in_dim3A_11 = vector.broadcast %broadcast_in_dim3A : f32 to vector<16xf32>
        %get3A = arith.constant 0 : i32
        %get3A_12 = arith.index_cast %get3A : i32 to index
        %get3A_13 = arith.constant 0 : index
        %get3A_14 = tpu.vector_load %arg9[%get3A_12, %get3A_13] {strides = array<i32>} : memref<8x16xf32, #tpu.memory_space<vmem>>, vector<16xf32>,
        %add3A = arith.addf %broadcast_in_dim3A_11, %get3A_14 : vector<16xf32>
        %get3A_15 = arith.constant 1 : i32
        %get3A_16 = arith.index_cast %get3A_15 : i32 to index
        %get3A_17 = arith.constant 0 : index
        %get3A_18 = tpu.vector_load %arg9[%get3A_16, %get3A_17] {strides = array<i32>} : memref<8x16xf32, #tpu.memory_space<vmem>>, vector<16xf32>,
        %add3A_19 = arith.addf %add3A, %get3A_18 : vector<16xf32>
        %get3A_20 = arith.constant 2 : i32
        %get3A_21 = arith.index_cast %get3A_20 : i32 to index
        %get3A_22 = arith.constant 0 : index
        %get3A_23 = tpu.vector_load %arg9[%get3A_21, %get3A_22] {strides = array<i32>} : memref<8x16xf32, #tpu.memory_space<vmem>>, vector<16xf32>,
        %add3A_24 = arith.addf %add3A_19, %get3A_23 : vector<16xf32>
        %get3A_25 = arith.constant 3 : i32
        %get3A_26 = arith.index_cast %get3A_25 : i32 to index
        %get3A_27 = arith.constant 0 : index
        %get3A_28 = tpu.vector_load %arg9[%get3A_26, %get3A_27] {strides = array<i32>} : memref<8x16xf32, #tpu.memory_space<vmem>>, vector<16xf32>,
        %add3A_29 = arith.addf %add3A_24, %get3A_28 : vector<16xf32>
        %get3A_30 = arith.constant 4 : i32
        %get3A_31 = arith.index_cast %get3A_30 : i32 to index
        %get3A_32 = arith.constant 0 : index
        %get3A_33 = tpu.vector_load %arg9[%get3A_31, %get3A_32] {strides = array<i32>} : memref<8x16xf32, #tpu.memory_space<vmem>>, vector<16xf32>,
        %add3A_34 = arith.addf %add3A_29, %get3A_33 : vector<16xf32>
        %get3A_35 = arith.constant 5 : i32
        %get3A_36 = arith.index_cast %get3A_35 : i32 to index
        %get3A_37 = arith.constant 0 : index
        %get3A_38 = tpu.vector_load %arg9[%get3A_36, %get3A_37] {strides = array<i32>} : memref<8x16xf32, #tpu.memory_space<vmem>>, vector<16xf32>,
        %add3A_39 = arith.addf %add3A_34, %get3A_38 : vector<16xf32>
        %get3A_40 = arith.constant 6 : i32
        %get3A_41 = arith.index_cast %get3A_40 : i32 to index
        %get3A_42 = arith.constant 0 : index
        %get3A_43 = tpu.vector_load %arg9[%get3A_41, %get3A_42] {strides = array<i32>} : memref<8x16xf32, #tpu.memory_space<vmem>>, vector<16xf32>,
        %add3A_44 = arith.addf %add3A_39, %get3A_43 : vector<16xf32>
        %get3A_45 = arith.constant 7 : i32
        %get3A_46 = arith.index_cast %get3A_45 : i32 to index
        %get3A_47 = arith.constant 0 : index
        %get3A_48 = tpu.vector_load %arg9[%get3A_46, %get3A_47] {strides = array<i32>} : memref<8x16xf32, #tpu.memory_space<vmem>>, vector<16xf32>,
        %add3A_49 = arith.addf %add3A_44, %get3A_48 : vector<16xf32>
        %reduce_sum3A = arith.constant true
        %reduce_sum3A_50 = vector.broadcast %reduce_sum3A : i1 to vector<16xi1>
        %reduce_sum3A_51 = tpu.scan <sum>, %add3A_49 masked %reduce_sum3A_50 : vector<16xf32>, vector<16xi1> -> vector<16xf32>
        %reduce_sum3A_52 = vector.extract %reduce_sum3A_51[15] : f32 from vector<16xf32>
        %mul3A = arith.constant 9.765625E-4 : f32
        %mul3A_53 = arith.mulf %reduce_sum3A_52, %mul3A : f32
        %broadcast_in_dim3A_54 = vector.broadcast %mul3A_53 : f32 to vector<16xf32>
        %swap3A = arith.constant 0 : index
        %swap3A_55 = tpu.vector_load %arg10[%swap3A] {strides = array<i32>} : memref<16xf32, #tpu.memory_space<vmem>>, vector<16xf32>,
        tpu.vector_store %arg10[%swap3A], %broadcast_in_dim3A_54 {strides = array<i32>} : memref<16xf32, #tpu.memory_space<vmem>>, vector<16xf32>,
        "tpu.region"() ({
          %run_scoped3A = tpu.sem_alloc : memref<!tpu.dma_semaphore, #tpu.memory_space<semaphore_mem>>
          tpu.enqueue_dma source(%arg10 : memref<16xf32, #tpu.memory_space<vmem>>) target(%arg4 : memref<16xf32, #tpu.memory_space<hbm>>) target_semaphore(%run_scoped3A : memref<!tpu.dma_semaphore, #tpu.memory_space<semaphore_mem>>)
          tpu.wait_dma2 semaphore(%run_scoped3A : memref<!tpu.dma_semaphore, #tpu.memory_space<semaphore_mem>>) src(%arg10 : memref<16xf32, #tpu.memory_space<vmem>>) dst(%arg4 : memref<16xf32, #tpu.memory_space<hbm>>)
          tpu.yield
        }) : () -> ()
      } else {
      }
    } else {
    }
    return
  }
}

module attributes {stable_mosaic.version = 14 : i64} {
  func.func @_mca_tc_kernel(%arg0: i32, %arg1: memref<256x64xf32, #tpu.memory_space<vmem>>, %arg2: memref<10000x64xf32, #tpu.memory_space<vmem>>, %arg3: memref<2x51x256xf32, #tpu.memory_space<vmem>>, %arg4: memref<10000x64xbf16, #tpu.memory_space<vmem>>, %arg5: memref<10000x1xf32, #tpu.memory_space<vmem>>) attributes {dimension_semantics = [#tpu.dimension_semantics<arbitrary>], iteration_bounds = array<i64: 4>, scalar_prefetch = 0 : i64, scratch_operands = 2 : i64, tpu.core_type = #tpu.core_type<tc>, window_params = [{transform_indices = @transform_0, window_bounds = array<i64: 256, 64>}, {pipeline_mode = #tpu.pipeline_mode<synchronous>, transform_indices = @transform_1, window_bounds = array<i64: 10000, 64>}, {transform_indices = @transform_2, window_bounds = array<i64: 2, 51, 256>}]} {
    %eq3A = arith.constant 0 : i32
    %eq3A_0 = arith.cmpi eq, %arg0, %eq3A : i32
    %convert_element_type3A = arith.extui %eq3A_0 : i1 to i32
    %cond3A = arith.constant 0 : i32
    %cond3A_1 = arith.cmpi ne, %convert_element_type3A, %cond3A : i32
    scf.if %cond3A_1 {
      %get3A_84 = arith.constant 0 : index
      %get3A_85 = arith.constant 0 : index
      %get3A_86 = vector.load %arg2[%get3A_84, %get3A_85] : memref<10000x64xf32, #tpu.memory_space<vmem>>, vector<10000x64xf32>
      %mul3A_87 = arith.constant 3.200000e+01 : f32
      %mul3A_88 = vector.broadcast %mul3A_87 : f32 to vector<10000x64xf32>
      %mul3A_89 = arith.mulf %mul3A_88, %get3A_86 : vector<10000x64xf32>
      %convert_element_type3A_90 = arith.truncf %mul3A_89 : vector<10000x64xf32> to vector<10000x64xbf16>
      %swap3A_91 = arith.constant 0 : index
      %swap3A_92 = arith.constant 0 : index
      %swap3A_93 = vector.load %arg4[%swap3A_91, %swap3A_92] : memref<10000x64xbf16, #tpu.memory_space<vmem>>, vector<10000x64xbf16>
      tpu.vector_store %arg4[%swap3A_91, %swap3A_92], %convert_element_type3A_90 {strides = array<i32>} : memref<10000x64xbf16, #tpu.memory_space<vmem>>, vector<10000x64xbf16>,
      %mul3A_94 = arith.mulf %get3A_86, %get3A_86 : vector<10000x64xf32>
      %reduce_sum3A_95 = arith.constant dense<0.000000e+00> : vector<10000xf32>
      %reduce_sum3A_96 = vector.multi_reduction <add>, %mul3A_94, %reduce_sum3A_95 [1] : vector<10000x64xf32> to vector<10000xf32>
      %broadcast_in_dim3A_97 = vector.shape_cast %reduce_sum3A_96 : vector<10000xf32> to vector<10000x1xf32>
      %mul3A_98 = arith.constant -1.600000e+01 : f32
      %mul3A_99 = vector.broadcast %mul3A_98 : f32 to vector<10000x1xf32>
      %mul3A_100 = arith.mulf %mul3A_99, %broadcast_in_dim3A_97 : vector<10000x1xf32>
      %swap3A_101 = arith.constant 0 : index
      %swap3A_102 = arith.constant 0 : index
      %swap3A_103 = vector.load %arg5[%swap3A_101, %swap3A_102] : memref<10000x1xf32, #tpu.memory_space<vmem>>, vector<10000x1xf32>
      tpu.vector_store %arg5[%swap3A_101, %swap3A_102], %mul3A_100 {strides = array<i32>} : memref<10000x1xf32, #tpu.memory_space<vmem>>, vector<10000x1xf32>,
    } else {
    }
    %get3A = arith.constant 0 : index
    %get3A_2 = arith.constant 0 : index
    %get3A_3 = vector.load %arg1[%get3A, %get3A_2] : memref<256x64xf32, #tpu.memory_space<vmem>>, vector<256x64xf32>
    %convert_element_type3A_4 = arith.truncf %get3A_3 : vector<256x64xf32> to vector<256x64xbf16>
    %get3A_5 = arith.constant 0 : index
    %get3A_6 = arith.constant 0 : index
    %get3A_7 = vector.load %arg4[%get3A_5, %get3A_6] : memref<10000x64xbf16, #tpu.memory_space<vmem>>, vector<10000x64xbf16>
    %dot_general3A = arith.constant dense<0.000000e+00> : vector<10000x256xf32>
    %dot_general3A_8 = tpu.matmul %get3A_7, %convert_element_type3A_4, %dot_general3A {dimension_numbers = #tpu.dot_dimension_numbers<[1], [1], [0], [0], [0, 0, 1, 0], [], []>, transpose_lhs_hint = false} : vector<10000x64xbf16>, vector<256x64xbf16>, vector<10000x256xf32> -> vector<10000x256xf32>
    %get3A_9 = arith.constant 0 : index
    %get3A_10 = arith.constant 0 : index
    %get3A_11 = vector.load %arg5[%get3A_9, %get3A_10] : memref<10000x1xf32, #tpu.memory_space<vmem>>, vector<10000x1xf32>
    %add3A = vector.broadcast %get3A_11 : vector<10000x1xf32> to vector<10000x256xf32>
    %add3A_12 = arith.addf %dot_general3A_8, %add3A : vector<10000x256xf32>
    %reshape3A = vector.shape_cast %add3A_12 : vector<10000x256xf32> to vector<50x200x256xf32>
    %slice3A = vector.extract_strided_slice %reshape3A {offsets = [0, 0, 0], sizes = [50, 96, 256], strides = [1, 1, 1]} : vector<50x200x256xf32> to vector<50x96x256xf32>
    %slice3A_13 = vector.extract_strided_slice %reshape3A {offsets = [0, 96, 0], sizes = [50, 8, 256], strides = [1, 1, 1]} : vector<50x200x256xf32> to vector<50x8x256xf32>
    %slice3A_14 = vector.extract_strided_slice %reshape3A {offsets = [0, 104, 0], sizes = [50, 96, 256], strides = [1, 1, 1]} : vector<50x200x256xf32> to vector<50x96x256xf32>
    %iota3A = tpu.iota {dimensions = array<i32: 1>} : vector<50x8x256xi32>
    %lt3A = arith.constant 4 : i32
    %lt3A_15 = vector.broadcast %lt3A : i32 to vector<50x8x256xi32>
    %lt3A_16 = arith.cmpi slt, %iota3A, %lt3A_15 : vector<50x8x256xi32>
    %reduce_max3A = arith.constant dense<0xFF800000> : vector<50x256xf32>
    %reduce_max3A_17 = vector.multi_reduction <maximumf>, %slice3A, %reduce_max3A [1] : vector<50x96x256xf32> to vector<50x256xf32>
    %jit3A = arith.constant -1.000000e+30 : f32
    %broadcast_in_dim3A = vector.broadcast %jit3A : f32 to vector<50x8x256xf32>
    %select_n3A = arith.select %lt3A_16, %slice3A_13, %broadcast_in_dim3A : vector<50x8x256xi1>, vector<50x8x256xf32>
    %reduce_max3A_18 = arith.constant dense<0xFF800000> : vector<50x256xf32>
    %reduce_max3A_19 = vector.multi_reduction <maximumf>, %select_n3A, %reduce_max3A_18 [1] : vector<50x8x256xf32> to vector<50x256xf32>
    %max3A = arith.maximumf %reduce_max3A_17, %reduce_max3A_19 : vector<50x256xf32>
    %reduce_max3A_20 = arith.constant dense<0xFF800000> : vector<50x256xf32>
    %reduce_max3A_21 = vector.multi_reduction <maximumf>, %slice3A_14, %reduce_max3A_20 [1] : vector<50x96x256xf32> to vector<50x256xf32>
    %jit3A_22 = arith.constant -1.000000e+30 : f32
    %broadcast_in_dim3A_23 = vector.broadcast %jit3A_22 : f32 to vector<50x8x256xf32>
    %select_n3A_24 = arith.select %lt3A_16, %broadcast_in_dim3A_23, %slice3A_13 : vector<50x8x256xi1>, vector<50x8x256xf32>
    %reduce_max3A_25 = arith.constant dense<0xFF800000> : vector<50x256xf32>
    %reduce_max3A_26 = vector.multi_reduction <maximumf>, %select_n3A_24, %reduce_max3A_25 [1] : vector<50x8x256xf32> to vector<50x256xf32>
    %max3A_27 = arith.maximumf %reduce_max3A_21, %reduce_max3A_26 : vector<50x256xf32>
    %broadcast_in_dim3A_28 = vector.shape_cast %max3A : vector<50x256xf32> to vector<50x1x256xf32>
    %broadcast_in_dim3A_29 = vector.shape_cast %max3A_27 : vector<50x256xf32> to vector<50x1x256xf32>
    %broadcast_in_dim3A_30 = vector.shape_cast %broadcast_in_dim3A_28 : vector<50x1x256xf32> to vector<50x1x256xf32>
    %broadcast_in_dim3A_31 = vector.broadcast %broadcast_in_dim3A_30 : vector<50x1x256xf32> to vector<50x8x256xf32>
    %broadcast_in_dim3A_32 = vector.shape_cast %broadcast_in_dim3A_29 : vector<50x1x256xf32> to vector<50x1x256xf32>
    %broadcast_in_dim3A_33 = vector.broadcast %broadcast_in_dim3A_32 : vector<50x1x256xf32> to vector<50x8x256xf32>
    %select_n3A_34 = arith.select %lt3A_16, %broadcast_in_dim3A_31, %broadcast_in_dim3A_33 : vector<50x8x256xi1>, vector<50x8x256xf32>
    %sub3A = arith.subf %slice3A_13, %select_n3A_34 : vector<50x8x256xf32>
    %exp3A = math.exp %sub3A : vector<50x8x256xf32>
    %jit3A_35 = arith.constant 0.000000e+00 : f32
    %broadcast_in_dim3A_36 = vector.broadcast %jit3A_35 : f32 to vector<50x8x256xf32>
    %select_n3A_37 = arith.select %lt3A_16, %exp3A, %broadcast_in_dim3A_36 : vector<50x8x256xi1>, vector<50x8x256xf32>
    %reduce_sum3A = arith.constant dense<0.000000e+00> : vector<50x256xf32>
    %reduce_sum3A_38 = vector.multi_reduction <add>, %select_n3A_37, %reduce_sum3A [1] : vector<50x8x256xf32> to vector<50x256xf32>
    %reduce_sum3A_39 = arith.constant dense<0.000000e+00> : vector<50x256xf32>
    %reduce_sum3A_40 = vector.multi_reduction <add>, %exp3A, %reduce_sum3A_39 [1] : vector<50x8x256xf32> to vector<50x256xf32>
    %broadcast_in_dim3A_41 = vector.shape_cast %max3A : vector<50x256xf32> to vector<50x1x256xf32>
    %sub3A_42 = vector.broadcast %broadcast_in_dim3A_41 : vector<50x1x256xf32> to vector<50x96x256xf32>
    %sub3A_43 = arith.subf %slice3A, %sub3A_42 : vector<50x96x256xf32>
    %exp3A_44 = math.exp %sub3A_43 : vector<50x96x256xf32>
    %reduce_sum3A_45 = arith.constant dense<0.000000e+00> : vector<50x256xf32>
    %reduce_sum3A_46 = vector.multi_reduction <add>, %exp3A_44, %reduce_sum3A_45 [1] : vector<50x96x256xf32> to vector<50x256xf32>
    %add3A_47 = arith.addf %reduce_sum3A_46, %reduce_sum3A_38 : vector<50x256xf32>
    %broadcast_in_dim3A_48 = vector.shape_cast %max3A_27 : vector<50x256xf32> to vector<50x1x256xf32>
    %sub3A_49 = vector.broadcast %broadcast_in_dim3A_48 : vector<50x1x256xf32> to vector<50x96x256xf32>
    %sub3A_50 = arith.subf %slice3A_14, %sub3A_49 : vector<50x96x256xf32>
    %exp3A_51 = math.exp %sub3A_50 : vector<50x96x256xf32>
    %reduce_sum3A_52 = arith.constant dense<0.000000e+00> : vector<50x256xf32>
    %reduce_sum3A_53 = vector.multi_reduction <add>, %exp3A_51, %reduce_sum3A_52 [1] : vector<50x96x256xf32> to vector<50x256xf32>
    %sub3A_54 = arith.subf %reduce_sum3A_40, %reduce_sum3A_38 : vector<50x256xf32>
    %add3A_55 = arith.addf %reduce_sum3A_53, %sub3A_54 : vector<50x256xf32>
    %max3A_56 = arith.maximumf %max3A, %max3A_27 : vector<50x256xf32>
    %reduce_max3A_57 = arith.constant dense<0xFF800000> : vector<256xf32>
    %reduce_max3A_58 = vector.multi_reduction <maximumf>, %max3A_56, %reduce_max3A_57 [0] : vector<50x256xf32> to vector<256xf32>
    %broadcast_in_dim3A_59 = vector.shape_cast %reduce_max3A_58 : vector<256xf32> to vector<1x256xf32>
    %sub3A_60 = vector.broadcast %broadcast_in_dim3A_59 : vector<1x256xf32> to vector<50x256xf32>
    %sub3A_61 = arith.subf %max3A, %sub3A_60 : vector<50x256xf32>
    %exp3A_62 = math.exp %sub3A_61 : vector<50x256xf32>
    %mul3A = arith.mulf %exp3A_62, %add3A_47 : vector<50x256xf32>
    %sub3A_63 = vector.broadcast %broadcast_in_dim3A_59 : vector<1x256xf32> to vector<50x256xf32>
    %sub3A_64 = arith.subf %max3A_27, %sub3A_63 : vector<50x256xf32>
    %exp3A_65 = math.exp %sub3A_64 : vector<50x256xf32>
    %mul3A_66 = arith.mulf %exp3A_65, %add3A_55 : vector<50x256xf32>
    %add3A_67 = arith.addf %mul3A, %mul3A_66 : vector<50x256xf32>
    %reduce_sum3A_68 = arith.constant dense<0.000000e+00> : vector<256xf32>
    %reduce_sum3A_69 = vector.multi_reduction <add>, %add3A_67, %reduce_sum3A_68 [0] : vector<50x256xf32> to vector<256xf32>
    %log3A = math.log %reduce_sum3A_69 : vector<256xf32>
    %reshape3A_70 = vector.shape_cast %log3A : vector<256xf32> to vector<1x256xf32>
    %add3A_71 = arith.addf %broadcast_in_dim3A_59, %reshape3A_70 : vector<1x256xf32>
    %log3A_72 = math.log %add3A_47 : vector<50x256xf32>
    %add3A_73 = arith.addf %max3A, %log3A_72 : vector<50x256xf32>
    %concatenate3A = tpu.concatenate %add3A_73, %add3A_71 in 0 : vector<50x256xf32>, vector<1x256xf32> -> vector<51x256xf32>
    %log3A_74 = math.log %add3A_55 : vector<50x256xf32>
    %add3A_75 = arith.addf %max3A_27, %log3A_74 : vector<50x256xf32>
    %broadcast_in_dim3A_76 = arith.constant 0.000000e+00 : f32
    %broadcast_in_dim3A_77 = vector.broadcast %broadcast_in_dim3A_76 : f32 to vector<1x256xf32>
    %concatenate3A_78 = tpu.concatenate %add3A_75, %broadcast_in_dim3A_77 in 0 : vector<50x256xf32>, vector<1x256xf32> -> vector<51x256xf32>
    %stack3A = vector.shape_cast %concatenate3A : vector<51x256xf32> to vector<1x51x256xf32>
    %stack3A_79 = vector.shape_cast %concatenate3A_78 : vector<51x256xf32> to vector<1x51x256xf32>
    %stack3A_80 = tpu.concatenate %stack3A, %stack3A_79 in 0 : vector<1x51x256xf32>, vector<1x51x256xf32> -> vector<2x51x256xf32>
    %swap3A = arith.constant 0 : index
    %swap3A_81 = arith.constant 0 : index
    %swap3A_82 = arith.constant 0 : index
    %swap3A_83 = vector.load %arg3[%swap3A, %swap3A_81, %swap3A_82] : memref<2x51x256xf32, #tpu.memory_space<vmem>>, vector<2x51x256xf32>
    tpu.vector_store %arg3[%swap3A, %swap3A_81, %swap3A_82], %stack3A_80 {strides = array<i32>} : memref<2x51x256xf32, #tpu.memory_space<vmem>>, vector<2x51x256xf32>,
    return
  }
  func.func @transform_0(%arg0: i32) -> (i32, i32) {
    %c0_i32 = arith.constant 0 : i32
    %c0_i32_0 = arith.constant 0 : i32
    return %arg0, %c0_i32 : i32, i32
  }
  func.func @transform_1(%arg0: i32) -> (i32, i32) {
    %c0_i32 = arith.constant 0 : i32
    %c0_i32_0 = arith.constant 0 : i32
    %c0_i32_1 = arith.constant 0 : i32
    return %c0_i32, %c0_i32_0 : i32, i32
  }
  func.func @transform_2(%arg0: i32) -> (i32, i32, i32) {
    %c0_i32 = arith.constant 0 : i32
    %c0_i32_0 = arith.constant 0 : i32
    %c0_i32_1 = arith.constant 0 : i32
    return %c0_i32, %c0_i32_0, %arg0 : i32, i32, i32
  }
}

</mosaic_0001>

<sc_bundles>
// kernel: kernel.4.cloned.1.call-start
scs
__scs_entry_jumppad:
0x0: {  	(pc) =	sbr.rel $0x88, $3  }
0x1: {  	(tag) =	ssettag $0x0;
	lr =	simm.s32 $0x1  }
0x2: {  	[smem:$0x3F9E] =	sst lr;
	_ =	strace $0xD0000000  }
0x3: {  	_ = 	snop  }
0x4: {  	_ = 	snop  }
0x5: {  	_ = 	snop  }
0x6: {  	_ = 	snop  }
0x7: {  	_ = 	snop  }
__scs_overlays_trampoline_lowered:
0x8: {  	[smem:$0x3FAD] =	sst s0  }
0x9: {  	[smem:$0x3FAE] =	sst s1  }
0xa: {  	[smem:$0x3FAF] =	sst s2  }
0xb: {  	[smem:$0x3FB0] =	sst s3  }
0xc: {  	[smem:$0x3FB1] =	sst s4  }
0xd: {  	[smem:$0x3FB2] =	sst s5  }
0xe: {  	[smem:$0x3FB3] =	sst s6  }
0xf: {  	[smem:$0x3FB4] =	sst s7  }
0x10: {  	[smem:$0x3FB5] =	sst s8  }
0x11: {  	[smem:$0x3FB6] =	sst s9;
	s0 =	simm.s32 @!p0 $0x0  }
0x12: {  	s1 =	sld [smem:$0x3F9C];
	s0 =	simm.s32 @p0 $0x1  }
0x13: {  	[smem:$0x3FB7] =	sst s0;
	s0 =	simm.s32 @!p1 $0x0  }
0x14: {  	s2 =	sld [smem:$0x3F9B];
	s0 =	simm.s32 @p1 $0x1  }
0x15: {  	[smem:$0x3FB8] =	sst s0;
	s0 =	simm.s32 @!p2 $0x0  }
0x16: {  	s3 =	sld [smem:$0x3FDB];
	s0 =	simm.s32 @p2 $0x1  }
0x17: {  	s4 =	simm.s32 $0x1BF5;
	[smem:$0x3FBA] =	sst s0  }
0x18: {  	s0 =	sld [smem:$0x3F9D];
	_ =	swait.ge [sflag:s4], $0x0  }
0x19: {  	s7 =	sld [smem:$0x3F9E]  }
0x1a: {  	s8 =	sadd.s32 $0xFFFFE003, lr  }
0x1b: {  	s9 =	sadd.s32 $0xFFFFFEF7, lr;
	s5 =	simm.s32 $0xFFFFFFFF;
	p2 =	slt.u32 s8, $0xFFFFF086  }
0x1c: {  	p1 =	slt.u32 s9, $0xF7A;
	s5 =	simm.s32 @!p2 $0x0  }
0x1d: {  	s5 =	simm.s32 @p1 $0x1;
	p0 =	seq.s32 s7, s2  }
0x1e: {  	s7 =	smul.u32 @!p0 $0xF7A, s2;
	p2 =	seq.s32 @!p0 s5, $0x0  }
0x1f: {  	s9 =	smul.u32 $0xF7A, s1;
	s8 =	simm.s32 @!p0 $0x1BF5;
	p2 =	por !p2, p0  }
0x20: {  	[sflag:s8] =	ssyncset.s32 @!p0 $0xFFFFF086;
	s6 =	sadd.s32 @!p0 s3, s7;
	s7 =	simm.s32 @!p0 $0x108  }
0x21: {  	s3 =	sadd.s32 s3, s9;
	s6 =	sadd.s32 @!p0 $0x88, s6;
	s7 =	simm.s32 @p2 $0x1082  }
0x22: {  	[simem:s7], [sflag:s8] =	dma.local @!p0 [hbm:s6], $0xF7A  }
0x23: {  	s9 =	sor.u32 $0xD0000000, s2;
	s6 =	simm.s32 $0x108;
	_ =	swait.ge @!p0 [sflag:s8], $0x0  }
0x24: {  	s3 =	sadd.s32 $0x88, s3;
	s6 =	simm.s32 @!p1 $0x1082;
	[sflag:s4] =	ssyncset.s32 $0xFFFFF086  }
0x25: {  	[simem:s6], [sflag:s4] =	dma.local [hbm:s3], $0xF7A  }
0x26: {  	[smem:$0x3F9E] =	sst s1;
	(tag) =	ssettag s2;
	_ =	strace s9  }
0x27: {  	s1 =	sld [smem:$0x3FAE]  }
0x28: {  	s2 =	sld [smem:$0x3FAF]  }
0x29: {  	s4 =	sld [smem:$0x3FB1]  }
0x2a: {  	p0 =	seq.s32 s5, $0x0;
	s5 =	sld [smem:$0x3FB2]  }
0x2b: {  	s6 =	sld [smem:$0x3FB3]  }
0x2c: {  	s7 =	sld [smem:$0x3FB4]  }
0x2d: {  	s3 =	simm.s32 $0x108;
	s8 =	sld [smem:$0x3FB5]  }
0x2e: {  	s3 =	simm.s32 @!p0 $0x1082;
	s9 =	sld [smem:$0x3FB6]  }
0x2f: {  	lr =	sadd.s32 s0, s3;
	s0 =	sld [smem:$0x3FAD]  }
0x30: {  	s3 =	sld [smem:$0x3FB0]  }
0x31: {  	[smem:$0x3FB9] =	sst s10  }
0x32: {  	s10 =	sld [smem:$0x3FB7];
	_ =	sdelay $0x3  }
0x33: {  	p0 =	seq.s32 s10, $0x1;
	s10 =	sld [smem:$0x3FB9];
	_ =	sdelay $0x3  }
0x34: {  	[smem:$0x3FB9] =	sst s10  }
0x35: {  	s10 =	sld [smem:$0x3FB8];
	_ =	sdelay $0x3  }
0x36: {  	p1 =	seq.s32 s10, $0x1;
	s10 =	sld [smem:$0x3FB9];
	_ =	sdelay $0x3  }
0x37: {  	[smem:$0x3FB9] =	sst s10  }
0x38: {  	s10 =	sld [smem:$0x3FBA]  }
0x39: {  	_ = 	snop;
	(pc) =	sbr.ind lr, $3  }
0x3a: {  	_ = 	snop  }
0x3b: {  	_ = 	snop  }
0x3c: {  	p2 =	seq.s32 s10, $0x1;
	s10 =	sld [smem:$0x3FB9]  }
0x3d: {  	_ =	shalt  }
0x3e: {  	_ =	shalt  }
0x3f: {  	_ =	shalt  }
0x40: {  	_ =	shalt  }
0x41: {  	_ =	shalt  }
0x42: {  	_ =	shalt  }
0x43: {  	_ =	shalt  }
0x44: {  	_ =	shalt  }
0x45: {  	_ =	shalt  }
0x46: {  	_ =	shalt  }
0x47: {  	_ =	shalt  }
0x48: {  	_ =	shalt  }
0x49: {  	_ =	shalt  }
0x4a: {  	_ =	shalt  }
0x4b: {  	_ =	shalt  }
0x4c: {  	_ =	shalt  }
0x4d: {  	_ =	shalt  }
0x4e: {  	_ =	shalt  }
0x4f: {  	_ =	shalt  }
0x50: {  	_ =	shalt  }
0x51: {  	_ =	shalt  }
0x52: {  	_ =	shalt  }
0x53: {  	_ =	shalt  }
0x54: {  	_ =	shalt  }
0x55: {  	_ =	shalt  }
0x56: {  	_ =	shalt  }
0x57: {  	_ =	shalt  }
0x58: {  	_ =	shalt  }
0x59: {  	_ =	shalt  }
0x5a: {  	_ =	shalt  }
0x5b: {  	_ =	shalt  }
0x5c: {  	_ =	shalt  }
0x5d: {  	_ =	shalt  }
0x5e: {  	_ =	shalt  }
0x5f: {  	_ =	shalt  }
0x60: {  	_ =	shalt  }
0x61: {  	_ =	shalt  }
0x62: {  	_ =	shalt  }
0x63: {  	_ =	shalt  }
0x64: {  	_ =	shalt  }
0x65: {  	_ =	shalt  }
0x66: {  	_ =	shalt  }
0x67: {  	_ =	shalt  }
0x68: {  	_ =	shalt  }
0x69: {  	_ =	shalt  }
0x6a: {  	_ =	shalt  }
0x6b: {  	_ =	shalt  }
0x6c: {  	_ =	shalt  }
0x6d: {  	_ =	shalt  }
0x6e: {  	_ =	shalt  }
0x6f: {  	_ =	shalt  }
0x70: {  	_ =	shalt  }
0x71: {  	_ =	shalt  }
0x72: {  	_ =	shalt  }
0x73: {  	_ =	shalt  }
0x74: {  	_ =	shalt  }
0x75: {  	_ =	shalt  }
0x76: {  	_ =	shalt  }
0x77: {  	_ =	shalt  }
0x78: {  	_ =	shalt  }
0x79: {  	_ =	shalt  }
0x7a: {  	_ =	shalt  }
0x7b: {  	_ =	shalt  }
0x7c: {  	_ =	shalt  }
0x7d: {  	_ =	shalt  }
0x7e: {  	_ =	shalt  }
0x7f: {  	_ =	shalt  }
0x80: {  	_ =	shalt  }
0x81: {  	_ =	shalt  }
0x82: {  	_ =	shalt  }
0x83: {  	_ =	shalt  }
0x84: {  	_ =	shalt  }
0x85: {  	_ =	shalt  }
0x86: {  	_ =	shalt  }
0x87: {  	_ =	shalt  }
.Lfunc_end0:
.L_simem_size_0:
called_computation_lowered:
.L_overlay_start_0:
0x88: {  	s2 =	sld [smem:$0x3FD9]  }
0x89: {  	s3 =	sld [smem:$0x3FFE];
	_ =	sdelay $0x1  }
0x8a: {  	s1 =	srdreg.scid  }
0x8b: {  	s0 =	sand.u32 $0x1, s1  }
0x8c: {  	s17 =	sshll.u32 s0, $0xA;
	s2 =	sadd.s32 s3, s2  }
0x8d: {  	s2 =	sadd.s32 s2, s17  }
0x8e: {  	[smem:$0x3FC5] =	sst s2  }
0x8f: {  	_ = 	snop  }
0x90: {  	s2 =	sld [smem:$0x3FC8]  }
0x91: {  	s18 =	sld [smem:$0x3FD0];
	(tm) =	ssettm $0x1  }
0x92: {  	s4 =	sld [smem:$0x3FFB];
	_ =	sdelay $0x3  }
0x93: {  	_ =	strace s4  }
0x94: {  	s4 =	sld [smem:$0x3FFC];
	_ =	sdelay $0x3  }
0x95: {  	_ =	strace s4  }
0x96: {  	s4 =	sld [smem:$0x3FFD];
	_ =	sdelay $0x3  }
0x97: {  	_ =	strace s4  }
0x98: {  	_ =	strace $0x8FFFFFFF  }
0x99: {  	s19 =	sld [smem:$0x3FDB];
	_ =	sdelay $0x1  }
0x9a: {  	s5 =	simm.s32 $_scs_section_size  }
0x9b: {  	s6 =	simm.s32 $_size__tile_overlayer_lowered;
	s7 =	simm.s32 $_tile_overlayer_lowered  }
0x9c: {  	s22 =	simm.s32 $0x1BFF;
	s21 =	sshll.u32 s7, $0x1;
	s4 =	sadd.s32 s5, s19  }
0x9d: {  	s8 =	simm.s32 $0x0;
	s20 =	sshll.u32 s6, $0x1;
	s6 =	sadd.s32 s21, s4  }
0x9e: {  	[timem:s8], [sflag:s22] =	dma.local [hbm:s6], s20  }
0x9f: {  	_ =	swait.ge [sflag:s22], s20  }
0xa0: {  	s5 =	ssub.s32 $0x0, s20;
	[sflag:s22] =	ssyncset.done $0x0  }
0xa1: {  	[sflag:s22] =	ssyncadd.s32 s5;
	_ =	sdelay $0x1  }
0xa2: {  	s23 =	simm.s32 $0x1B8B  }
0xa3: {  	_ =	swait.ge [sflag:s23], $0x1  }
0xa4: {  	[sflag:s23] =	ssyncset.done $0x0  }
0xa5: {  	s25 =	simm.s32 $0x1B8E;
	s24 =	sld [smem:$0x3FFE];
	[sflag:s23] =	ssyncadd.s32 $0xFFFFFFFF  }
0xa6: {  	s26 =	simm.s32 $execute0_lowered;
	[smem:$0x3FD2] =	sst s25  }
0xa7: {  	s6 =	sshll.u32 s26, $0x1;
	_ =	strace $0x80000046;
	[dreg:$0x1] =	wrdreg $0xFFFFFFFF  }
0xa8: {  	s28 =	simm.s32 $_size_execute0_lowered;
	s4 =	sadd.s32 s4, s6;
	[dreg:$0x0] =	wrdreg $0x0  }
0xa9: {  	s6 =	sshll.u32 s28, $0x1;
	[dreg:$0x2] =	wrdreg s4  }
0xaa: {  	[dreg:$0x3] =	wrdreg s6  }
0xab: {  	[dreg:$0x4] =	wrdreg $0xC0  }
0xac: {  	_ =	task [dreg:s8], $0x5FFFF  }
0xad: {  	[dreg:$0x1] =	wrdreg $0xFFFFFFFF  }
0xae: {  	[dreg:$0x0] =	wrdreg $0x60  }
0xaf: {  	[dreg:$0x2] =	wrdreg s24  }
0xb0: {  	[dreg:$0x3] =	wrdreg s2  }
0xb1: {  	[dreg:$0x4] =	wrdreg s18  }
0xb2: {  	[dreg:$0x5] =	wrdreg $0x33900  }
0xb3: {  	[dreg:$0x6] =	wrdreg $0x9  }
0xb4: {  	_ =	task.clear_ibuf [dreg:s8], $0x7FFFF;
	_ =	strace $0x90000046  }
0xb5: {  	s29 =	simm.s32 $0x9;
	_ =	strace $0x80000048  }
0xb6: {  	_ =	swait.ge [sflag:s29], $0x1  }
0xb7: {  	[sflag:s29] =	ssyncadd.s32 $0xFFFFFFFF  }
0xb8: {  	_ =	strace $0x90000048  }
0xb9: {  	_ =	sfence  }
0xba: {  	s30 =	sld [smem:$0x0];
	_ =	sdelay $0x2  }
0xbb: {  	s31 =	sshll.u32 s1, $0xD;
	s1 =	sshrl.u32 s1, $0x2  }
0xbc: {  	s3 =	sand.u32 $0x4000, s31;
	s1 =	sadd.s32 s1, s30  }
0xbd: {  	s0 =	sor.u32 s3, s0;
	s1 =	sshll.u32 s1, $0x11  }
0xbe: {  	s0 =	sor.u32 s1, s0  }
0xbf: {  	s0 =	sadd.s32 $0x8F2B, s0  }
0xc0: {  	[sflag:s0] =	ssyncadd.remote.s32 $0x1  }
0xc1: {  	_ =	sfence.sel $0xFFFF  }
0xc2: {  	[dreg:$0x0] =	wrdreg $0xFFFFFFFF;
	(pc) =	sbr.abs _section_cstart, $3  }
0xc3: {  	[dreg:$0x1] =	wrdreg $0xFFFFFFFF  }
0xc4: {  	_ =	task.clear_ibuf [dreg:s8], $0x2FFFF;
	_ =	strace $0x9FFFFFFF  }
0xc5: {  	(tm) =	ssettm $0x7FFFFFFF  }
tec
execute0_lowered:
.L_overlay_start_1:
0x0: {  	(tag) =	ssettag $0x1  }
0x1: {  	s1 =	srdreg.scid  }
0x2: {  	s1 =	sand.u32 $0x1, s1  }
0x3: {  	s6 =	rddreg [dreg:$0x0];
	p0 =	seq.s32 s1, $0x1  }
.Ltmp0:
0x4: {  	s4 =	rddreg [dreg:$0x1];
	(pc) =	sbr.rel @p0 .LBB2_4-.Ltmp0, $4  }
0x5: {  	s2 =	rddreg [dreg:$0x2]  }
0x6: {  	s3 =	rddreg [dreg:$0x3];
	s5 =	simm.s32 $0x0  }
0x7: {  	[smem:$0x7FF] =	sst s5  }
0x8: {  	s0 =	rddreg [dreg:$0x4];
	_ =	strace $0x80000047;
	s1 =	stileid.u32  }
0x9: {  	p0 =	slt.u32 s1, $0x8  }
.Ltmp1:
0xa: {  	_ = 	snop;
	(pc) =	sbr.rel @!p0 .LBB2_2-.Ltmp1, $1  }
0xb: {  	_ =	sdelay $0x3  }
0xc: {  	s5 =	sshll.u32 s1, $0x4  }
0xd: {  	s7 =	simm.s32 $0x0;
	s28 =	simm.s32 $0x1;
	s4 =	sadd.s32 s4, s5  }
0xe: {  	[tilespmem:s7], [sflag:$0x1] =	stream.linear.gather [hbm4b:s4+s7], $0x80, $0x38;
	[tilespmem:$0x3428] =	vst v63  }
0xf: {  	_ =	swait.ge [sflag:s28], $0x80  }
0x10: {  	s8 =	simm.s32 $0x400;
	s6 =	sadd.s32 s5, s6;
	[sflag:s28] =	ssyncset.done $0x0  }
0x11: {  	s30 =	simm.s32 $0x80;
	s29 =	sadd.s32 $0x400, s6;
	[sflag:s28] =	ssyncadd.s32 $0xFFFFFF80  }
0x12: {  	[tilespmem:s30], [sflag:$0x1] =	stream.strided.gather [hbm4b:s29+s30], $0x3300, s8, s30, $0x38;
	[tilespmem:$0x3428] =	vst v63  }
0x13: {  	_ =	swait.ge [sflag:s28], $0x3300  }
0x14: {  	[sflag:s28] =	ssyncset.done $0x0  }
0x15: {  	[sflag:s28] =	ssyncadd.s32 $0xFFFFCD00  }
0x16: {  	v0 =	vld [tilespmem:$0x0]  }
0x17: {  	v1 =	vld [tilespmem:$0x10];
	_ =	sdelay $0x2  }
0x18: {  	v27 =	vimm.s32 $0x0;
	v4 =	vlaneseq.u32  }
0x19: {  	v29 =	vor.u32 $0x10, v4;
	v5 =	vld [tilespmem:$0x20];
	v2 =	vand.u32 $0x1, v0;
	v0 =	vshll.u32 v0, $0x6  }
0x1a: {  	v7 =	vld [tilespmem:$0x30];
	v28 =	vand.u32 $0x1, v1;
	v1 =	vshll.u32 v1, $0x6;
	vm0 =	veq.s32 v2, $0x1  }
0x1b: {  	v8 =	vld [tilespmem:$0x40];
	v0 =	vand.u32 $0xFFFFFF80, v0;
	vm9 =	veq.s32 v28, $0x1;
	v3 =	vsel vm0, $0x1980, v27  }
0x1c: {  	v36 =	vld [tilespmem:$0x50];
	v1 =	vand.u32 $0xFFFFFF80, v1;
	v0 =	vadd.s32 v0, v3;
	v3 =	vsel vm9, $0x1980, v27  }
0x1d: {  	v37 =	vor.u32 $0x20, v4;
	v10 =	vor.u32 $0x30, v4;
	v39 =	vld [tilespmem:$0x60];
	v1 =	vadd.s32 v1, v3  }
0x1e: {  	v42 =	vor.u32 $0x40, v4;
	v47 =	vor.u32 $0x50, v4;
	v11 =	vld [tilespmem:$0x70];
	v1 =	vor.u32 v29, v1  }
0x1f: {  	v50 =	vor.u32 $0x60, v4;
	v31 =	vand.u32 $0x1, v5;
	v32 =	vshll.u32 v5, $0x6  }
0x20: {  	v34 =	vand.u32 $0x1, v7;
	v35 =	vshll.u32 v7, $0x6;
	v38 =	vand.u32 $0x1, v8  }
0x21: {  	v40 =	vshll.u32 v8, $0x6;
	v43 =	vand.u32 $0x1, v36;
	v0 =	vor.u32 v4, v0  }
0x22: {  	v6 =	vld [tilespmem:$0x1990];
	v45 =	vand.u32 $0x1, v39;
	v46 =	vshll.u32 v39, $0x6;
	vm10 =	veq.s32 v31, $0x1  }
0x23: {  	v49 =	vand.u32 $0x1, v11;
	v33 =	vsel vm10, $0x1980, v27;
	v3 =	vand.u32 $0xFFFFFF80, v32;
	v1 =	vld.idx.msk [tilespmem:v1+s30+$0x0], $0xffff  }
0x24: {  	v11 =	vshll.u32 v11, $0x6;
	vm11 =	veq.s32 v34, $0x1;
	v3 =	vadd.s32 v3, v33  }
0x25: {  	v30 =	vld [tilespmem:$0x1980];
	v5 =	vand.u32 $0xFFFFFF80, v35;
	v9 =	vsel vm11, $0x1980, v27;
	v3 =	vor.u32 v37, v3  }
0x26: {  	vm12 =	veq.s32 v38, $0x1;
	v7 =	vand.u32 $0xFFFFFF80, v40;
	v5 =	vadd.s32 v5, v9;
	v0 =	vld.idx.msk [tilespmem:v0+s30+$0x0], $0xffff  }
0x27: {  	vm13 =	veq.s32 v43, $0x1;
	v41 =	vsel vm12, $0x1980, v27;
	v5 =	vor.u32 v10, v5  }
0x28: {  	v7 =	vadd.s32 v7, v41;
	v1 =	vsub.f32 v6, v1;
	v6 =	vshll.u32 v36, $0x6  }
0x29: {  	v48 =	vld [tilespmem:$0x19A0];
	v44 =	vsel vm13, $0x1980, v27;
	v7 =	vor.u32 v42, v7;
	v6 =	vand.u32 $0xFFFFFF80, v6  }
0x2a: {  	vm14 =	veq.s32 v45, $0x1;
	v8 =	vand.u32 $0xFFFFFF80, v46;
	v3 =	vld.idx.msk [tilespmem:v3+s30+$0x0], $0xffff;
	v6 =	vadd.s32 v6, v44  }
0x2b: {  	v51 =	vld [tilespmem:$0x19B0];
	v10 =	vsel vm14, $0x1980, v27;
	v0 =	vsub.f32 v30, v0;
	v6 =	vor.u32 v47, v6  }
0x2c: {  	vm15 =	veq.s32 v49, $0x1;
	v11 =	vand.u32 $0xFFFFFF80, v11;
	v8 =	vadd.s32 v8, v10;
	v5 =	vld.idx.msk [tilespmem:v5+s30+$0x0], $0xffff  }
0x2d: {  	v52 =	vld [tilespmem:$0x19C0];
	v2 =	vsel vm15, $0x1980, v27;
	v8 =	vor.u32 v50, v8;
	v0 =	vadd.f32 $0.0e+00, v0  }
0x2e: {  	v2 =	vadd.s32 v11, v2;
	v4 =	vor.u32 $0x70, v4;
	v7 =	vld.idx.msk [tilespmem:v7+s30+$0x0], $0xffff  }
0x2f: {  	v55 =	vld [tilespmem:$0x19D0];
	v2 =	vor.u32 v4, v2;
	v53 =	vsub.f32 v48, v3;
	v0 =	vadd.f32 v1, v0  }
0x30: {  	v54 =	vld.idx.msk [tilespmem:v6+s30+$0x0], $0xffff  }
0x31: {  	v58 =	vld [tilespmem:$0x19E0];
	v56 =	vsub.f32 v51, v5;
	v0 =	vadd.f32 v53, v0  }
0x32: {  	v57 =	vld.idx.msk [tilespmem:v8+s30+$0x0], $0xffff  }
0x33: {  	v60 =	vld [tilespmem:$0x19F0];
	v59 =	vsub.f32 v52, v7;
	v0 =	vadd.f32 v56, v0  }
0x34: {  	v2 =	vld.idx.msk [tilespmem:v2+s30+$0x0], $0xffff  }
0x35: {  	v0 =	vadd.f32 v59, v0;
	v61 =	vsub.f32 v55, v54;
	_ =	sdelay $0x1  }
0x36: {  	v62 =	vsub.f32 v58, v57;
	v0 =	vadd.f32 v61, v0;
	_ =	sdelay $0x1  }
0x37: {  	v63 =	vsub.f32 v60, v2;
	v0 =	vadd.f32 v62, v0;
	_ =	sdelay $0x1  }
0x38: {  	v0 =	vadd.f32 v63, v0;
	_ =	sdelay $0x1  }
0x39: {  	s31 =	simm.s32 $0x3380;
	s5 =	sadd.s32 s5, s3;
	[tilespmem:$0x3380] =	vst v0  }
0x3a: {  	[spmem:s5] =	stream.linear.scatter [tilespmem:s31], [sflag:$0x1], $0x10, $0x38;
	[tilespmem:$0x3428] =	vst v63  }
0x3b: {  	_ =	swait.ge [sflag:s28], $0x10  }
0x3c: {  	[sflag:s28] =	ssyncset.done $0x0  }
0x3d: {  	p0 =	sne.s32 s1, $0x0;
	[sflag:s28] =	ssyncadd.s32 $0xFFFFFFF0  }
0x3e: {  	s4 =	simm.s32 @!p0 $0x3398;
	[bflag:$0x0] =	sbarrier.arrive $0xFFFF  }
0x3f: {  	[tilespmem:s4], [sflag:$0x1] =	stream.linear.gather @!p0 [spmem:s3], $0x80, $0x38;
	[tilespmem:$0x3428] =	vst v63  }
0x40: {  	s3 =	simm.s32 @!p0 $0x1  }
0x41: {  	_ =	swait.ge @!p0 [sflag:s3], $0x80  }
0x42: {  	[sflag:s3] =	ssyncset.done @!p0 $0x0  }
0x43: {  	[sflag:s3] =	ssyncadd.s32 @!p0 $0xFFFFFF80  }
0x44: {  	v0 =	vld @!p0 [tilespmem:$0x3398];
	_ =	sdelay $0x1  }
0x45: {  	v1 =	vld @!p0 [tilespmem:$0x33A8];
	_ =	sdelay $0x1  }
0x46: {  	v2 =	vld @!p0 [tilespmem:$0x33B8]  }
0x47: {  	v0 =	vadd.f32 @!p0 $0.0e+00, v0  }
0x48: {  	v3 =	vld @!p0 [tilespmem:$0x33C8]  }
0x49: {  	v0 =	vadd.f32 @!p0 v1, v0  }
0x4a: {  	v1 =	vld @!p0 [tilespmem:$0x33D8]  }
0x4b: {  	v0 =	vadd.f32 @!p0 v2, v0  }
0x4c: {  	v2 =	vld @!p0 [tilespmem:$0x33E8]  }
0x4d: {  	v0 =	vadd.f32 @!p0 v3, v0  }
0x4e: {  	v3 =	vld @!p0 [tilespmem:$0x33F8]  }
0x4f: {  	v0 =	vadd.f32 @!p0 v1, v0  }
0x50: {  	v1 =	vld @!p0 [tilespmem:$0x3408]  }
0x51: {  	v0 =	vadd.f32 @!p0 v2, v0;
	_ =	sdelay $0x1  }
0x52: {  	v0 =	vadd.f32 @!p0 v3, v0;
	_ =	sdelay $0x1  }
0x53: {  	v0 =	vadd.f32 @!p0 v1, v0;
	_ =	sdelay $0x1  }
0x54: {  	(xrf2) =	vadd.scan.msk.f32 @!p0 $0xffff, v0;
	_ =	sdelay $0x9  }
0x55: {  	v0, _, _ =	vpop @!p0 (xrf2)  }
0x56: {  	(v2sf) =	vpush @!p0 v0, $0xF;
	_ =	sdelay $0xe  }
0x57: {  	s4 =	spop @!p0 (v2sf)  }
0x58: {  	s4 =	smul.f32 @!p0 $9.765625000e-04, s4;
	_ =	sdelay $0x1  }
0x59: {  	v0 =	vmov @!p0 s4  }
.Ltmp2:
0x5a: {  	s5 =	simm.s32 @!p0 $0x3418;
	s4 =	simm.s32 @!p0 $0x0;
	[tilespmem:$0x3418] =	vst @!p0 v0;
	(pc) =	sbr.rel .LBB2_4-.Ltmp2, $4  }
0x5b: {  	[hbm4b:s2+s4] =	stream.linear.scatter @!p0 [tilespmem:s5], [sflag:$0x1], $0x10, $0x38;
	[tilespmem:$0x3428] =	vst v63  }
0x5c: {  	_ =	swait.ge @!p0 [sflag:s3], $0x10  }
0x5d: {  	[sflag:s3] =	ssyncset.done @!p0 $0x0  }
0x5e: {  	[sflag:s3] =	ssyncadd.s32 @!p0 $0xFFFFFFF0  }
.LBB2_2:
0x5f: {  	[bflag:$0x0] =	sbarrier.arrive $0xFFFF  }
.LBB2_4:
0x60: {  	_ =	sfence.sel $0x180000  }
0x61: {  	[bflag:$0x0] =	sbarrier.arrive $0xFFFF  }
0x62: {  	p0 =	sne.s32 s1, $0x0;
	_ =	strace $0x90000047  }
0x63: {  	s0 =	sadd.s32 @!p0 $0x100000, s0;
	[bflag:$0x2] =	sbarrier.arrive $0xFFFF  }
0x64: {  	[sflag:s0] =	ssyncadd.tile.s32 @!p0 $0x1;
	_ =	shalt  }
.Lfunc_end2:
_tile_overlayer_lowered:
.L_overlay_start_2:
0x65: {  	(tag) =	ssettag $0x2  }
0x66: {  	s0 =	rddreg [dreg:$0x0];
	s2 =	stileid.u32  }
0x67: {  	s1 =	rddreg [dreg:$0x1];
	p0 =	sne.s32 s2, $0x0  }
0x68: {  	s3 =	rddreg [dreg:$0x2];
	[bflag:$0x3] =	sbarrier.arrive $0xFFFF;
	s2 =	simm.s32 @!p0 $0x1C01  }
0x69: {  	[timem:s3], [sflag:s2] =	dma.local @!p0 [hbm:s0], s1  }
0x6a: {  	s0 =	simm.s32 @!p0 $0x1  }
0x6b: {  	_ =	swait.ge @!p0 [sflag:s0], s1  }
0x6c: {  	s1 =	ssub.s32 @!p0 $0x0, s1;
	[sflag:s0] =	ssyncset.done @!p0 $0x0  }
0x6d: {  	[sflag:s0] =	ssyncadd.s32 @!p0 s1  }
0x6e: {  	[bflag:$0x3] =	sbarrier.arrive $0xFFFF  }
0x6f: {  	_ =	shalt  }

</sc_bundles>
